<compile_context>
chip_gen: v7x
topology: tpu7x:2x2x1
jax: 0.10.2.dev20260603
libtpu: 0.0.44.dev20260713+nightly
codegen_flags: <defaults>
</compile_context>

<pallas_src>
import numpy as np
import jax
import jax.numpy as jnp
from jax.experimental import pallas as pl
from jax.experimental.pallas import tpu as pltpu

_N = 1048576
_D = 3
_NF = 10
_OUT = _D * (1 + 2 * _NF)
_ACT = _D * (1 + 2 * 4)

_G = 4
_GL = 32
_KP = 8
_N4 = _N // _G
_BLK = 1024

_FMAT = np.zeros((_G * _KP, _G * _GL), np.float32)
for _g in range(_G):
    for _j in range(_ACT):
        _f = 1.0 if _j < _D else 2.0 ** ((_j - _D) // (2 * _D))
        _FMAT[_g * _KP + (_j % _D), _g * _GL + _j] = _f

_S1 = np.float32(0.99945009)
_S2 = np.float32(-0.16583833)
_S3 = np.float32(0.0079985512)
_S4 = np.float32(-0.00014773867)
_INV2PI = np.float32(1.0 / (2.0 * np.pi))
_TWOPI1 = np.float32(2.0 * np.pi)
_TWOPI2 = np.float32(2.0 * np.pi - np.float64(np.float32(2.0 * np.pi)))


def _fast_sin(t):
    k = jnp.round(t * _INV2PI)
    r = t - k * _TWOPI1 - k * _TWOPI2
    r2 = r * r
    return r * (_S1 + r2 * (_S2 + r2 * (_S3 + r2 * _S4)))


def _body(cf_ref, x_ref, fm_ref, o_ref):
    x = x_ref[...]
    cf = cf_ref[0]
    lane = jax.lax.broadcasted_iota(jnp.int32, (1, _G * _GL), 1)
    j = jax.lax.rem(lane, _GL)
    is_enc = (j >= _D) & (j < _ACT)
    band = (j - _D) // (2 * _D)
    phase = jnp.where(is_enc & (((j - _D) % (2 * _D)) >= _D),
                      np.float32(np.pi / 2), np.float32(0.0))
    mask = jnp.where(is_enc & (band < cf), 1.0, 0.0).astype(jnp.float32)
    insel = jnp.where(j < _D, 1.0, 0.0).astype(jnp.float32)
    t = jnp.dot(x, fm_ref[...], preferred_element_type=jnp.float32,
                precision=jax.lax.Precision.HIGHEST)
    o_ref[...] = _fast_sin(t + phase) * mask + t * insel


def kernel(x, scale):
    scale_t = jnp.minimum(jnp.asarray(scale, jnp.int32), 3)
    nfmax = jnp.minimum(4 + scale_t * 2, 10)
    cf = jnp.minimum(4, nfmax).reshape(1)
    xq = jnp.pad(x, ((0, 0), (0, _KP - _D))).reshape(_N4, _G * _KP)

    grid_spec = pltpu.PrefetchScalarGridSpec(
        num_scalar_prefetch=1,
        grid=(_N4 // _BLK,),
        in_specs=[
            pl.BlockSpec((_BLK, _G * _KP), lambda i, cf_ref: (i, 0)),
            pl.BlockSpec((_G * _KP, _G * _GL), lambda i, cf_ref: (0, 0)),
        ],
        out_specs=pl.BlockSpec((_BLK, _G * _GL), lambda i, cf_ref: (i, 0)),
    )
    res = pl.pallas_call(
        _body,
        grid_spec=grid_spec,
        out_shape=jax.ShapeDtypeStruct((_N4, _G * _GL), jnp.float32),
    )(cf, xq, jnp.asarray(_FMAT))
    return jnp.pad(res.reshape(_N, _GL), ((0, 0), (0, _OUT - _GL)))

# --- scband reference (transcript-rebuilt; emitter-appended) ---
"""Pipeline reference for scband-multi-scale-encoder-55465207661117 (READ-ONLY COPY).

The authoritative reference and input builder live on the scoring server;
editing this copy changes nothing except your own understanding.
"""

import jax, jax.numpy as jnp
import numpy as np

N = 1048576
INPUT_DIM = 3
NUM_SCALES = 4
BASE_FREQS = 4
MAX_FREQS = 10

# Known constant value that setup_inputs always passes for `scale`.
SCALE_STATIC = 3


def setup_inputs(seed: int = 0) -> dict:
    key = jax.random.key(seed)
    x = jax.random.normal(key, (N, INPUT_DIM), dtype=jnp.float32)
    return {"x": x, "scale": SCALE_STATIC}


def _encoder_params_static(scale: int):
    # Mirror MultiScaleEncoder.__init__: per-scale ProgressivePositionalEncoder config
    scale = min(scale, NUM_SCALES - 1)
    freqs_for_scale = BASE_FREQS + scale * ((MAX_FREQS - BASE_FREQS) // (NUM_SCALES - 1))
    num_freqs_max = min(freqs_for_scale, MAX_FREQS)
    num_freqs_base = BASE_FREQS
    # ProgressivePositionalEncoder with current_stage=0 -> progress=0 -> current_freqs=base
    current_freqs = min(num_freqs_base + 0, num_freqs_max)
    # log_sampling=True default
    freq_bands = 2.0 ** jnp.linspace(0.0, num_freqs_max - 1, num_freqs_max)
    return num_freqs_max, current_freqs, freq_bands


def reference(x, scale):
    # Traced mirror of _encoder_params arithmetic so the dependence on `scale`
    # stays expressed in the computation.
    scale_t = jnp.minimum(scale, NUM_SCALES - 1)
    freqs_for_scale_t = BASE_FREQS + scale_t * ((MAX_FREQS - BASE_FREQS) // (NUM_SCALES - 1))
    num_freqs_max_t = jnp.minimum(freqs_for_scale_t, MAX_FREQS)
    current_freqs_t = jnp.minimum(BASE_FREQS + 0, num_freqs_max_t)

    # Static structure (loop bounds, band count) from the known constant value.
    num_freqs_max, _, freq_bands = _encoder_params_static(SCALE_STATIC)

    encoded = [x]  # include_input=True
    for i in range(num_freqs_max):
        freq = freq_bands[i]
        freq_input = x * freq
        active = i < current_freqs_t
        encoded.append(jnp.where(active, jnp.sin(freq_input), jnp.zeros_like(x)))
        encoded.append(jnp.where(active, jnp.cos(freq_input), jnp.zeros_like(x)))
    return jnp.concatenate(encoded, axis=-1)


if False:  # reference __main__ guard neutralized (emitter)
    inp = setup_inputs()
    out = reference(**inp)
    print(out.shape, out.dtype)

if __name__ == "__main__":
    import jax
    _d = setup_inputs()
    print(jax.jit(kernel)(*tuple(_d.values())))

</pallas_src>

<mosaic_0001>
module attributes {stable_mosaic.version = 14 : i64} {
  func.func @_body(%arg0: i32, %arg1: memref<1xi32, #tpu.memory_space<smem>>, %arg2: memref<1024x32xf32, #tpu.memory_space<vmem>>, %arg3: memref<32x128xf32, #tpu.memory_space<vmem>>, %arg4: memref<1024x128xf32, #tpu.memory_space<vmem>>) attributes {dimension_semantics = [#tpu.dimension_semantics<arbitrary>], iteration_bounds = array<i64: 256>, scalar_prefetch = 1 : i64, scratch_operands = 0 : i64, tpu.core_type = #tpu.core_type<tc>, window_params = [{transform_indices = @transform_0, window_bounds = array<i64: 1024, 32>}, {pipeline_mode = #tpu.pipeline_mode<synchronous>, transform_indices = @transform_1, window_bounds = array<i64: 32, 128>}, {transform_indices = @transform_2, window_bounds = array<i64: 1024, 128>}]} {
    %get3A = arith.constant 0 : index
    %get3A_0 = arith.constant 0 : index
    %get3A_1 = vector.load %arg2[%get3A, %get3A_0] : memref<1024x32xf32, #tpu.memory_space<vmem>>, vector<1024x32xf32>
    %get3A_2 = arith.constant 0 : index
    %get3A_3 = memref.load %arg1[%get3A_2] : memref<1xi32, #tpu.memory_space<smem>>
    %iota3A = tpu.iota {dimensions = array<i32: 1>} : vector<1x128xi32>
    %rem3A = arith.constant 32 : i32
    %rem3A_4 = vector.broadcast %rem3A : i32 to vector<1x128xi32>
    %rem3A_5 = arith.remsi %iota3A, %rem3A_4 : vector<1x128xi32>
    %ge3A = arith.constant 3 : i32
    %ge3A_6 = vector.broadcast %ge3A : i32 to vector<1x128xi32>
    %ge3A_7 = arith.cmpi sge, %rem3A_5, %ge3A_6 : vector<1x128xi32>
    %lt3A = arith.constant 27 : i32
    %lt3A_8 = vector.broadcast %lt3A : i32 to vector<1x128xi32>
    %lt3A_9 = arith.cmpi slt, %rem3A_5, %lt3A_8 : vector<1x128xi32>
    %and3A = arith.andi %ge3A_7, %lt3A_9 : vector<1x128xi1>
    %sub3A = arith.constant 3 : i32
    %sub3A_10 = vector.broadcast %sub3A : i32 to vector<1x128xi32>
    %sub3A_11 = arith.subi %rem3A_5, %sub3A_10 : vector<1x128xi32>
    %jit3A = arith.constant 6 : i32
    %div3A = vector.broadcast %jit3A : i32 to vector<1x128xi32>
    %div3A_12 = arith.divsi %sub3A_11, %div3A : vector<1x128xi32>
    %sign3A = arith.constant 0 : i32
    %sign3A_13 = vector.broadcast %sign3A : i32 to vector<1x128xi32>
    %sign3A_14 = arith.cmpi sgt, %sub3A_11, %sign3A_13 : vector<1x128xi32>
    %sign3A_15 = arith.extui %sign3A_14 : vector<1x128xi1> to vector<1x128xi32>
    %sign3A_16 = arith.constant 0 : i32
    %sign3A_17 = vector.broadcast %sign3A_16 : i32 to vector<1x128xi32>
    %sign3A_18 = arith.cmpi slt, %sub3A_11, %sign3A_17 : vector<1x128xi32>
    %sign3A_19 = arith.extui %sign3A_18 : vector<1x128xi1> to vector<1x128xi32>
    %sign3A_20 = arith.subi %sign3A_15, %sign3A_19 : vector<1x128xi32>
    %sign3A_21 = arith.constant 0 : i32
    %sign3A_22 = arith.cmpi sgt, %jit3A, %sign3A_21 : i32
    %sign3A_23 = arith.extui %sign3A_22 : i1 to i32
    %sign3A_24 = arith.constant 0 : i32
    %sign3A_25 = arith.cmpi slt, %jit3A, %sign3A_24 : i32
    %sign3A_26 = arith.extui %sign3A_25 : i1 to i32
    %sign3A_27 = arith.subi %sign3A_23, %sign3A_26 : i32
    %ne3A = vector.broadcast %sign3A_27 : i32 to vector<1x128xi32>
    %ne3A_28 = arith.cmpi ne, %sign3A_20, %ne3A : vector<1x128xi32>
    %rem3A_29 = vector.broadcast %jit3A : i32 to vector<1x128xi32>
    %rem3A_30 = arith.remsi %sub3A_11, %rem3A_29 : vector<1x128xi32>
    %ne3A_31 = arith.constant 0 : i32
    %ne3A_32 = vector.broadcast %ne3A_31 : i32 to vector<1x128xi32>
    %ne3A_33 = arith.cmpi ne, %rem3A_30, %ne3A_32 : vector<1x128xi32>
    %and3A_34 = arith.andi %ne3A_28, %ne3A_33 : vector<1x128xi1>
    %sub3A_35 = arith.constant 1 : i32
    %sub3A_36 = vector.broadcast %sub3A_35 : i32 to vector<1x128xi32>
    %sub3A_37 = arith.subi %div3A_12, %sub3A_36 : vector<1x128xi32>
    %select_n3A = arith.select %and3A_34, %sub3A_37, %div3A_12 : vector<1x128xi1>, vector<1x128xi32>
    %sub3A_38 = arith.constant 3 : i32
    %sub3A_39 = vector.broadcast %sub3A_38 : i32 to vector<1x128xi32>
    %sub3A_40 = arith.subi %rem3A_5, %sub3A_39 : vector<1x128xi32>
    %jit3A_41 = arith.constant 6 : i32
    %eq3A = arith.constant 0 : i32
    %eq3A_42 = arith.cmpi eq, %jit3A_41, %eq3A : i32
    %jit3A_43 = arith.constant 1 : i32
    %select_n3A_44 = arith.select %eq3A_42, %jit3A_43, %jit3A_41 : i32
    %rem3A_45 = vector.broadcast %select_n3A_44 : i32 to vector<1x128xi32>
    %rem3A_46 = arith.remsi %sub3A_40, %rem3A_45 : vector<1x128xi32>
    %ne3A_47 = arith.constant 0 : i32
    %ne3A_48 = vector.broadcast %ne3A_47 : i32 to vector<1x128xi32>
    %ne3A_49 = arith.cmpi ne, %rem3A_46, %ne3A_48 : vector<1x128xi32>
    %lt3A_50 = arith.constant 0 : i32
    %lt3A_51 = vector.broadcast %lt3A_50 : i32 to vector<1x128xi32>
    %lt3A_52 = arith.cmpi slt, %rem3A_46, %lt3A_51 : vector<1x128xi32>
    %lt3A_53 = arith.constant 0 : i32
    %lt3A_54 = arith.cmpi slt, %select_n3A_44, %lt3A_53 : i32
    %ne3A_55 = vector.broadcast %lt3A_54 : i1 to vector<1x128xi1>
    %ne3A_56 = vector.broadcast %ne3A_55 : vector<1x128xi1> to vector<1x128xi1>
    %ne3A_57 = arith.xori %lt3A_52, %ne3A_56 : vector<1x128xi1>
    %and3A_58 = arith.andi %ne3A_57, %ne3A_49 : vector<1x128xi1>
    %add3A = vector.broadcast %select_n3A_44 : i32 to vector<1x128xi32>
    %add3A_59 = arith.addi %rem3A_46, %add3A : vector<1x128xi32>
    %select_n3A_60 = arith.select %and3A_58, %add3A_59, %rem3A_46 : vector<1x128xi1>, vector<1x128xi32>
    %ge3A_61 = arith.constant 3 : i32
    %ge3A_62 = vector.broadcast %ge3A_61 : i32 to vector<1x128xi32>
    %ge3A_63 = arith.cmpi sge, %select_n3A_60, %ge3A_62 : vector<1x128xi32>
    %and3A_64 = arith.andi %and3A, %ge3A_63 : vector<1x128xi1>
    %jit3A_65 = arith.constant 1.57079637 : f32
    %jit3A_66 = arith.constant 0.000000e+00 : f32
    %broadcast_in_dim3A = vector.broadcast %jit3A_65 : f32 to vector<1x128xf32>
    %broadcast_in_dim3A_67 = vector.broadcast %jit3A_66 : f32 to vector<1x128xf32>
    %select_n3A_68 = arith.select %and3A_64, %broadcast_in_dim3A, %broadcast_in_dim3A_67 : vector<1x128xi1>, vector<1x128xf32>
    %lt3A_69 = vector.broadcast %get3A_3 : i32 to vector<1x128xi32>
    %lt3A_70 = arith.cmpi slt, %select_n3A, %lt3A_69 : vector<1x128xi32>
    %and3A_71 = arith.andi %and3A, %lt3A_70 : vector<1x128xi1>
    %jit3A_72 = arith.constant 1.000000e+00 : f32
    %jit3A_73 = arith.constant 0.000000e+00 : f32
    %broadcast_in_dim3A_74 = vector.broadcast %jit3A_72 : f32 to vector<1x128xf32>
    %broadcast_in_dim3A_75 = vector.broadcast %jit3A_73 : f32 to vector<1x128xf32>
    %select_n3A_76 = arith.select %and3A_71, %broadcast_in_dim3A_74, %broadcast_in_dim3A_75 : vector<1x128xi1>, vector<1x128xf32>
    %lt3A_77 = arith.constant 3 : i32
    %lt3A_78 = vector.broadcast %lt3A_77 : i32 to vector<1x128xi32>
    %lt3A_79 = arith.cmpi slt, %rem3A_5, %lt3A_78 : vector<1x128xi32>
    %jit3A_80 = arith.constant 1.000000e+00 : f32
    %jit3A_81 = arith.constant 0.000000e+00 : f32
    %broadcast_in_dim3A_82 = vector.broadcast %jit3A_80 : f32 to vector<1x128xf32>
    %broadcast_in_dim3A_83 = vector.broadcast %jit3A_81 : f32 to vector<1x128xf32>
    %select_n3A_84 = arith.select %lt3A_79, %broadcast_in_dim3A_82, %broadcast_in_dim3A_83 : vector<1x128xi1>, vector<1x128xf32>
    %get3A_85 = arith.constant 0 : index
    %get3A_86 = arith.constant 0 : index
    %get3A_87 = vector.load %arg3[%get3A_85, %get3A_86] : memref<32x128xf32, #tpu.memory_space<vmem>>, vector<32x128xf32>
    %dot_general3A = arith.constant dense<0.000000e+00> : vector<1024x128xf32>
    %dot_general3A_88 = tpu.matmul %get3A_1, %get3A_87, %dot_general3A {dimension_numbers = #tpu.dot_dimension_numbers<[1], [0], [0], [1], [0, 0, 1, 1], [], []>, precision = #tpu.contract_precision<fp32>, transpose_lhs_hint = false} : vector<1024x32xf32>, vector<32x128xf32>, vector<1024x128xf32> -> vector<1024x128xf32>
    %add3A_89 = vector.broadcast %select_n3A_68 : vector<1x128xf32> to vector<1024x128xf32>
    %add3A_90 = arith.addf %dot_general3A_88, %add3A_89 : vector<1024x128xf32>
    %mul3A = arith.constant 0.159154937 : f32
    %mul3A_91 = vector.broadcast %mul3A : f32 to vector<1024x128xf32>
    %mul3A_92 = arith.mulf %add3A_90, %mul3A_91 : vector<1024x128xf32>
    %round3A = math.roundeven %mul3A_92 : vector<1024x128xf32>
    %mul3A_93 = arith.constant 6.28318548 : f32
    %mul3A_94 = vector.broadcast %mul3A_93 : f32 to vector<1024x128xf32>
    %mul3A_95 = arith.mulf %round3A, %mul3A_94 : vector<1024x128xf32>
    %sub3A_96 = arith.subf %add3A_90, %mul3A_95 : vector<1024x128xf32>
    %mul3A_97 = arith.constant -1.74845553E-7 : f32
    %mul3A_98 = vector.broadcast %mul3A_97 : f32 to vector<1024x128xf32>
    %mul3A_99 = arith.mulf %round3A, %mul3A_98 : vector<1024x128xf32>
    %sub3A_100 = arith.subf %sub3A_96, %mul3A_99 : vector<1024x128xf32>
    %mul3A_101 = arith.mulf %sub3A_100, %sub3A_100 : vector<1024x128xf32>
    %mul3A_102 = arith.constant -1.47738669E-4 : f32
    %mul3A_103 = vector.broadcast %mul3A_102 : f32 to vector<1024x128xf32>
    %mul3A_104 = arith.mulf %mul3A_101, %mul3A_103 : vector<1024x128xf32>
    %add3A_105 = arith.constant 0.00799855124 : f32
    %add3A_106 = vector.broadcast %add3A_105 : f32 to vector<1024x128xf32>
    %add3A_107 = arith.addf %add3A_106, %mul3A_104 : vector<1024x128xf32>
    %mul3A_108 = arith.mulf %mul3A_101, %add3A_107 : vector<1024x128xf32>
    %add3A_109 = arith.constant -0.165838331 : f32
    %add3A_110 = vector.broadcast %add3A_109 : f32 to vector<1024x128xf32>
    %add3A_111 = arith.addf %add3A_110, %mul3A_108 : vector<1024x128xf32>
    %mul3A_112 = arith.mulf %mul3A_101, %add3A_111 : vector<1024x128xf32>
    %add3A_113 = arith.constant 0.999450087 : f32
    %add3A_114 = vector.broadcast %add3A_113 : f32 to vector<1024x128xf32>
    %add3A_115 = arith.addf %add3A_114, %mul3A_112 : vector<1024x128xf32>
    %mul3A_116 = arith.mulf %sub3A_100, %add3A_115 : vector<1024x128xf32>
    %mul3A_117 = vector.broadcast %select_n3A_76 : vector<1x128xf32> to vector<1024x128xf32>
    %mul3A_118 = arith.mulf %mul3A_116, %mul3A_117 : vector<1024x128xf32>
    %mul3A_119 = vector.broadcast %select_n3A_84 : vector<1x128xf32> to vector<1024x128xf32>
    %mul3A_120 = arith.mulf %dot_general3A_88, %mul3A_119 : vector<1024x128xf32>
    %add3A_121 = arith.addf %mul3A_118, %mul3A_120 : vector<1024x128xf32>
    %swap3A = arith.constant 0 : index
    %swap3A_122 = arith.constant 0 : index
    %swap3A_123 = vector.load %arg4[%swap3A, %swap3A_122] : memref<1024x128xf32, #tpu.memory_space<vmem>>, vector<1024x128xf32>
    tpu.vector_store %arg4[%swap3A, %swap3A_122], %add3A_121 {strides = array<i32>} : memref<1024x128xf32, #tpu.memory_space<vmem>>, vector<1024x128xf32>,
    return
  }
  func.func @transform_0(%arg0: i32, %arg1: memref<1xi32, #tpu.memory_space<smem>>) -> (i32, i32) {
    %c0_i32 = arith.constant 0 : i32
    %c0_i32_0 = arith.constant 0 : i32
    return %arg0, %c0_i32 : i32, i32
  }
  func.func @transform_1(%arg0: i32, %arg1: memref<1xi32, #tpu.memory_space<smem>>) -> (i32, i32) {
    %c0_i32 = arith.constant 0 : i32
    %c0_i32_0 = arith.constant 0 : i32
    %c0_i32_1 = arith.constant 0 : i32
    return %c0_i32, %c0_i32_0 : i32, i32
  }
  func.func @transform_2(%arg0: i32, %arg1: memref<1xi32, #tpu.memory_space<smem>>) -> (i32, i32) {
    %c0_i32 = arith.constant 0 : i32
    %c0_i32_0 = arith.constant 0 : i32
    return %arg0, %c0_i32 : i32, i32
  }
}

</mosaic_0001>

<sc_bundles>
// kernel: sparse-core-data-format-call.cloned.1.call-start
scs
called_computation_lowered:
.L_overlay_start_0:
0x0: {  	s1 =	sld [smem:$0x3FD9]  }
0x1: {  	s2 =	sld [smem:$0x3FFE];
	_ =	sdelay $0x1  }
0x2: {  	s3 =	srdreg.scid  }
0x3: {  	s0 =	sand.u32 $0x1, s3  }
0x4: {  	s17 =	sshll.u32 s0, $0xA;
	s1 =	sadd.s32 s2, s1  }
0x5: {  	s1 =	sadd.s32 s1, s17  }
0x6: {  	[smem:$0x3FC6] =	sst s1  }
0x7: {  	_ = 	snop  }
0x8: {  	(tm) =	ssettm $0x1  }
0x9: {  	s18 =	sld [smem:$0x3FFB];
	_ =	sdelay $0x3  }
0xa: {  	_ =	strace s18  }
0xb: {  	s1 =	sld [smem:$0x3FFC];
	_ =	sdelay $0x3  }
0xc: {  	_ =	strace s1  }
0xd: {  	s1 =	sld [smem:$0x3FFD];
	_ =	sdelay $0x3  }
0xe: {  	_ =	strace s1  }
0xf: {  	_ =	strace $0x8FFFFFFF  }
0x10: {  	s19 =	sld [smem:$0x3FDB];
	_ =	sdelay $0x1  }
0x11: {  	s20 =	simm.s32 $_scs_section_size  }
0x12: {  	s4 =	simm.s32 $_size__tile_overlayer_lowered;
	s5 =	simm.s32 $_tile_overlayer_lowered  }
0x13: {  	s23 =	simm.s32 $0x1BFF;
	s22 =	sshll.u32 s5, $0x1;
	s1 =	sadd.s32 s20, s19  }
0x14: {  	s6 =	simm.s32 $0x0;
	s21 =	sshll.u32 s4, $0x1;
	s4 =	sadd.s32 s22, s1  }
0x15: {  	[timem:s6], [sflag:s23] =	dma.local [hbm:s4], s21  }
0x16: {  	_ =	swait.ge [sflag:s23], s21  }
0x17: {  	s2 =	ssub.s32 $0x0, s21;
	[sflag:s23] =	ssyncset.done $0x0  }
0x18: {  	[sflag:s23] =	ssyncadd.s32 s2;
	_ =	sdelay $0x1  }
0x19: {  	s24 =	simm.s32 $0x1B8B  }
0x1a: {  	_ =	swait.ge [sflag:s24], $0x1  }
0x1b: {  	[sflag:s24] =	ssyncset.done $0x0  }
0x1c: {  	s26 =	simm.s32 $0x1B8E;
	s25 =	sld [smem:$0x3FFE];
	[sflag:s24] =	ssyncadd.s32 $0xFFFFFFFF  }
0x1d: {  	s27 =	simm.s32 $execute0_lowered;
	[smem:$0x3FD2] =	sst s26  }
0x1e: {  	s4 =	sshll.u32 s27, $0x1;
	_ =	strace $0x80000046;
	[dreg:$0x1] =	wrdreg $0xFFFFFFFF  }
0x1f: {  	s28 =	simm.s32 $_size_execute0_lowered;
	s1 =	sadd.s32 s1, s4;
	[dreg:$0x0] =	wrdreg $0x0  }
0x20: {  	s4 =	sshll.u32 s28, $0x1;
	[dreg:$0x2] =	wrdreg s1  }
0x21: {  	[dreg:$0x3] =	wrdreg s4  }
0x22: {  	[dreg:$0x4] =	wrdreg $0xC0  }
0x23: {  	_ =	task [dreg:s6], $0x5FFFF  }
0x24: {  	[dreg:$0x1] =	wrdreg $0xFFFFFFFF  }
0x25: {  	[dreg:$0x0] =	wrdreg $0x60  }
0x26: {  	[dreg:$0x2] =	wrdreg s25  }
0x27: {  	[dreg:$0x3] =	wrdreg $0x9  }
0x28: {  	_ =	task.clear_ibuf [dreg:s6], $0x4FFFF;
	_ =	strace $0x90000046  }
0x29: {  	s29 =	simm.s32 $0x9;
	_ =	strace $0x80000048  }
0x2a: {  	_ =	swait.ge [sflag:s29], $0x1  }
0x2b: {  	[sflag:s29] =	ssyncadd.s32 $0xFFFFFFFF  }
0x2c: {  	_ =	strace $0x90000048  }
0x2d: {  	_ =	sfence  }
0x2e: {  	s30 =	sld [smem:$0x0];
	_ =	sdelay $0x2  }
0x2f: {  	s31 =	sshll.u32 s3, $0xD;
	s3 =	sshrl.u32 s3, $0x2  }
0x30: {  	s2 =	sand.u32 $0x4000, s31;
	s1 =	sadd.s32 s3, s30  }
0x31: {  	s0 =	sor.u32 s2, s0;
	s1 =	sshll.u32 s1, $0x11  }
0x32: {  	s0 =	sor.u32 s1, s0  }
0x33: {  	s0 =	sadd.s32 $0x8F2B, s0  }
0x34: {  	[sflag:s0] =	ssyncadd.remote.s32 $0x1  }
0x35: {  	_ =	sfence.sel $0xFFFF  }
0x36: {  	[dreg:$0x0] =	wrdreg $0xFFFFFFFF;
	(pc) =	sbr.abs _section_cstart, $3  }
0x37: {  	[dreg:$0x1] =	wrdreg $0xFFFFFFFF  }
0x38: {  	_ =	task.clear_ibuf [dreg:s6], $0x2FFFF;
	_ =	strace $0x9FFFFFFF  }
0x39: {  	(tm) =	ssettm $0x7FFFFFFF  }
tec
execute0_lowered:
.L_overlay_start_1:
0x0: {  	(tag) =	ssettag $0x1  }
0x1: {  	s0 =	srdreg.scid  }
0x2: {  	s1 =	sshll.u32 s0, $0x4  }
0x3: {  	s4 =	rddreg [dreg:$0x0];
	s0 =	stileid.u32;
	s1 =	sand.u32 $0x10, s1  }
0x4: {  	s7 =	simm.s32 $0x1;
	s8 =	simm.s32 $0x2;
	s2 =	sor.u32 s0, s1  }
0x5: {  	s11 =	simm.s32 $0x0;
	s10 =	simm.s32 $0x0;
	s2 =	sshll.u32 s2, $0x7  }
0x6: {  	s3 =	sadd.s32 $0x400800, s4;
	s4 =	sadd.s32 $0x600, s4;
	s6 =	ssub.s32 $0x100000, s2  }
.Ltmp0:
0x7: {  	s1 =	rddreg [dreg:$0x1];
	s5 =	sand.u32 $0xF80, s6;
	(pc) =	sbr.rel .LBB1_1-.Ltmp0, $4  }
0x8: {  	_ =	strace $0x80000047;
	s9 =	smov.u32 s2;
	p0 =	sne.s32 s5, $0x0  }
0x9: {  	s6 =	sshrl.u32 s6, $0xC;
	s5 =	simm.s32 $0x1;
	s7 =	simm.s32 @!p0 $0x0  }
0xa: {  	[sflag:s5] =	ssyncpa.u1 $0x0;
	p0 =	por $0x0, $0x0;
	s6 =	sadd.s32 s7, s6  }
0xb: {  	[sflag:s8] =	ssyncpa.u1 $0x0;
	s8 =	simm.s32 $0x800000;
	s7 =	sadd.s32 $0x1, s6  }
.LBB1_4:
0xc: {  	s13 =	sshll.u32 s11, $0x3  }
0xd: {  	s15 =	sand.u32 $0x78, s11;
	s13 =	sand.u32 $0xFFC00, s13  }
0xe: {  	s30 =	sand.u32 $0x3E0000, s11;
	s31 =	sand.u32 $0x7, s11;
	s13 =	sor.u32 s15, s13  }
0xf: {  	s11 =	sshll.u32 s31, $0x12;
	s15 =	sadd.s32 s4, s30;
	s13 =	sshrl.u32 s13, $0x3  }
0x10: {  	[tilespmem:s14+$0x0 ss:$0x81] =	vst.msk $0xffff, v0;
	s11 =	sor.u32 $0x400, s11;
	s13 =	sadd.s32 s13, s15  }
0x11: {  	[hbm4b:s13+s11] =	stream.strided.scatter [tilespmem:s12], [sflag:$0x2], $0x1000, s8, s11, $0x20;
	[tilespmem:$0x4040] =	vst v63  }
.LBB1_5:
0x12: {  	s13 =	sadd.s32 $0x1000, s9  }
0x13: {  	p2 =	sgt.s32 s13, $0xFFFFF  }
0x14: {  	s13 =	smov.u32 @p2 s2;
	p2 =	sne.s32 s10, s7  }
.Ltmp1:
0x15: {  	p1 =	slt.u32 s10, $0x2;
	(pc) =	sbr.rel @!p2 .LBB1_6-.Ltmp1, $4  }
0x16: {  	s12 =	simm.s32 @!p1 $0x2  }
0x17: {  	s14 =	sadd.s32 $0x1, s10;
	_ =	swait.ge @!p1 [sflag:s12], $0x1000  }
0x18: {  	s11 =	smov.u32 s9;
	p0 =	por !p0, !p0;
	[sflag:s12] =	ssyncset.done @!p1 $0x0  }
0x19: {  	s10 =	smov.u32 s14;
	s9 =	smov.u32 s13;
	[sflag:s12] =	ssyncadd.s32 @!p1 $0xFFFFF000  }
.LBB1_1:
0x1a: {  	p1 =	sge.u32 s10, s6  }
0x1b: {  	s31 =	sadd.s32 $0xFFFFFFFF, s10;
	s12 =	sxor.u32 @!p1 $0xFFFFFFFF, s10;
	s13 =	sshll.u32 @!p1 s9, $0x4  }
0x1c: {  	s14 =	simm.s32 @!p1 $0x20;
	s12 =	sshll.u32 @!p1 s12, $0xC;
	s13 =	sand.u32 @!p1 $0xFFFFF0, s13  }
0x1d: {  	s15 =	simm.s32 @!p1 $0x80;
	s12 =	sand.u32 @!p1 $0x1000, s12;
	s13 =	sadd.s32 @!p1 s3, s13  }
0x1e: {  	[tilespmem:s12], [sflag:$0x1] =	stream.strided.gather @!p1 [hbm4b:s13+s14], $0x1000, s15, s14, $0x38;
	[tilespmem:$0x4040] =	vst v63  }
0x1f: {  	p1 =	sge.u32 s31, s6  }
.Ltmp2:
0x20: {  	_ = 	snop;
	(pc) =	sbr.rel @p1 .LBB1_5-.Ltmp2, $1  }
0x21: {  	_ =	sdelay $0x3  }
0x22: {  	s12 =	simm.s32 $0x1  }
0x23: {  	_ =	swait.ge [sflag:s5], $0x1000;
	s12 =	simm.s32 @!p0 $0x0  }
0x24: {  	[sflag:s5] =	ssyncset.done $0x0;
	s13 =	sshll.u32 s12, $0xC  }
0x25: {  	[sflag:s5] =	ssyncadd.s32 $0xFFFFF000;
	s16 =	sor.u32 $0x10, s13  }
0x26: {  	s12 =	smul.u32 $0x4080, s12;
	v1 =	vld [tilespmem:s16+$0x0]  }
0x27: {  	s30 =	sand.u32 $0x1, s10;
	v0 =	vld [tilespmem:s16+$0xFFFFFFF0]  }
0x28: {  	s14 =	smul.u32 $0x4080, s30;
	s12 =	sshrl.u32 s12, $0x2  }
0x29: {  	s13 =	sor.u32 $0x2000, s12  }
0x2a: {  	s31 =	sshrl.u32 s14, $0x2;
	s14 =	sadd.s32 $0x0, s13  }
0x2b: {  	s15 =	simm.s32 $0x4;
	s16 =	sadd.s32 $0x20, s16;
	s12 =	sor.u32 $0x2000, s31;
	[tilespmem:s14+$0x810 ss:$0x81] =	vst.msk $0xffff, v1  }
.LBB1_3:
0x2c: {  	v1 =	vld [tilespmem:s16+$0x0];
	p1 =	sne.s32 s15, $0x1FC;
	[tilespmem:s14+$0x0 ss:$0x81] =	vst.msk $0xffff, v0;
	s14 =	smov.u32 s15;
	s15 =	sadd.s32 $0x4, s15  }
.Ltmp3:
0x2d: {  	v0 =	vld [tilespmem:s16+$0xFFFFFFF0];
	(pc) =	sbr.rel @p1 .LBB1_3-.Ltmp3, $4  }
0x2e: {  	_ = 	snop  }
0x2f: {  	s14 =	sshra.s32 s14, $0x2  }
0x30: {  	s14 =	sadd.s32 s14, s13  }
0x31: {  	s16 =	sadd.s32 $0x20, s16;
	[tilespmem:s14+$0x810 ss:$0x81] =	vst.msk $0xffff, v1  }
.Ltmp4:
0x32: {  	_ = 	snop;
	(pc) =	sbr.rel .LBB1_4-.Ltmp4, $1  }
0x33: {  	_ =	sdelay $0x3  }
.LBB1_6:
0x34: {  	_ =	sfence.sel $0x180000  }
0x35: {  	s2 =	simm.s32 $0x1;
	[bflag:$0x0] =	sbarrier.arrive $0xFFFF  }
0x36: {  	s31 =	simm.s32 $0x2;
	[sflag:s2] =	ssyncpa.u1 $0x1  }
0x37: {  	[sflag:s31] =	ssyncpa.u1 $0x1  }
0x38: {  	p0 =	sne.s32 s0, $0x0;
	_ =	strace $0x90000047  }
0x39: {  	s0 =	sadd.s32 @!p0 $0x100000, s1;
	[bflag:$0x2] =	sbarrier.arrive $0xFFFF  }
0x3a: {  	[sflag:s0] =	ssyncadd.tile.s32 @!p0 $0x1;
	_ =	shalt  }
.Lfunc_end1:
_tile_overlayer_lowered:
.L_overlay_start_2:
0x3b: {  	(tag) =	ssettag $0x2  }
0x3c: {  	s0 =	rddreg [dreg:$0x0];
	s2 =	stileid.u32  }
0x3d: {  	s1 =	rddreg [dreg:$0x1];
	p0 =	sne.s32 s2, $0x0  }
0x3e: {  	s3 =	rddreg [dreg:$0x2];
	[bflag:$0x3] =	sbarrier.arrive $0xFFFF;
	s2 =	simm.s32 @!p0 $0x1C01  }
0x3f: {  	[timem:s3], [sflag:s2] =	dma.local @!p0 [hbm:s0], s1  }
0x40: {  	s0 =	simm.s32 @!p0 $0x1  }
0x41: {  	_ =	swait.ge @!p0 [sflag:s0], s1  }
0x42: {  	s1 =	ssub.s32 @!p0 $0x0, s1;
	[sflag:s0] =	ssyncset.done @!p0 $0x0  }
0x43: {  	[sflag:s0] =	ssyncadd.s32 @!p0 s1  }
0x44: {  	[bflag:$0x3] =	sbarrier.arrive $0xFFFF  }
0x45: {  	_ =	shalt  }

</sc_bundles>
